<compile_context>
chip_gen: v7x
topology: tpu7x:2x2x1
jax: 0.10.2.dev20260603
libtpu: 0.0.44.dev20260713+nightly
codegen_flags: <defaults>
</compile_context>

<pallas_src>
import jax
import jax.numpy as jnp
from jax import lax
from jax.experimental import pallas as pl
from jax.experimental.pallas import tpu as pltpu
from jax.experimental.pallas import tpu_sc as plsc


def _index_body(lab_col_ref, lab_row_ref, flags_ref, gidx_ref, srow_ref):
    b = lab_col_ref.shape[0]
    n_labels = flags_ref.shape[1]
    q = 16

    lab_col = lab_col_ref[...]
    lab_row = lab_row_ref[...]
    flags = flags_ref[...]

    ii = lax.broadcasted_iota(jnp.int32, (b, b), 0)
    jj = lax.broadcasted_iota(jnp.int32, (b, b), 1)
    same = lab_col == lab_row

    rank_col = jnp.sum(jnp.where(same & (jj < ii), 1, 0),
                       axis=1, keepdims=True)
    rank_row = jnp.sum(jnp.where(same & (ii < jj), 1, 0),
                       axis=0, keepdims=True)

    ff = lax.broadcasted_iota(jnp.int32, (b, n_labels), 1)
    fl_col = jnp.sum(jnp.where(ff == lab_col, flags, 0),
                     axis=1, keepdims=True)

    pos_col = (fl_col + rank_col) % q
    srow_ref[...] = lab_col * q + pos_col

    slot_eq = same & ((rank_col % q) == (rank_row % q))
    gidx_ref[...] = jnp.max(jnp.where(slot_eq, jj, -1), axis=1, keepdims=True)


def _compute_indices(labels, current_flags):
    b = labels.shape[0]
    out_t = [
        jax.ShapeDtypeStruct((b, 1), jnp.int32),
        jax.ShapeDtypeStruct((b, 1), jnp.int32),
    ]
    gidx, srow = pl.pallas_call(_index_body, out_shape=out_t)(
        labels.reshape(b, 1),
        labels.reshape(1, b),
        current_flags.reshape(1, -1),
    )
    return gidx.reshape(b), srow.reshape(b)


def _make_sc_scatter(b, d, n_rows):
    info = plsc.get_sparse_core_info()
    nc, ns = info.num_cores, info.num_subcores
    nw = nc * ns
    per_w = b // nw
    assert per_w * nw == b and per_w % 8 == 0

    mesh = plsc.VectorSubcoreMesh(core_axis_name="c", subcore_axis_name="s")

    @pl.kernel(
        mesh=mesh,
        out_type=(),
        scratch_types=[
            pltpu.VMEM((per_w,), jnp.int32),
            pltpu.VMEM((per_w,), jnp.int32),
            pltpu.VMEM((per_w, d), jnp.float32),
            pltpu.SemaphoreType.DMA,
            pltpu.SemaphoreType.DMA,
            pltpu.SemaphoreType.DMA,
            pltpu.SemaphoreType.DMA,
        ],
    )
    def sc_scatter(mem_ref, feat_hbm, gidx_hbm, srow_hbm,
                   gidx_v, srow_v, rows_v, sem_i1, sem_i2, sem_g, sem_s):
        wid = lax.axis_index("s") * nc + lax.axis_index("c")
        base = wid * per_w
        ld_g = pltpu.async_copy(gidx_hbm.at[pl.ds(base, per_w)], gidx_v, sem_i1)
        ld_s = pltpu.async_copy(srow_hbm.at[pl.ds(base, per_w)], srow_v, sem_i2)
        ld_g.wait()
        gather = pltpu.async_copy(feat_hbm.at[gidx_v], rows_v, sem_g)
        ld_s.wait()
        gather.wait()
        pltpu.async_copy(rows_v, mem_ref.at[srow_v], sem_s).wait()

    return sc_scatter


def kernel(mem, input_features, labels, current_flags):
    n_labels, q, d = mem.shape
    b = input_features.shape[0]

    gidx, srow = _compute_indices(labels, current_flags)

    mem_ref = jax.new_ref(mem.reshape(n_labels * q, d))
    sc = _make_sc_scatter(b, d, n_labels * q)
    sc(mem_ref, input_features, gidx, srow)
    return mem_ref[...].reshape(n_labels, q, d)

# --- scband reference (transcript-rebuilt; emitter-appended) ---
"""Pipeline reference for scband-queues-47175920779355 (READ-ONLY COPY).

The authoritative reference and input builder live on the scoring server;
editing this copy changes nothing except your own understanding.
"""

import jax, jax.numpy as jnp
import numpy as np

NUM_LABELS = 2048
QUEUE_MAX = 16
NUM_FEATURES = 2048
BATCH = 256
CENTROID_WEIGHT = 0.15


def setup_inputs(seed: int = 0) -> dict:
    key = jax.random.key(seed)
    k1, k2, k3 = jax.random.split(key, 3)
    mem = jax.random.normal(k1, (NUM_LABELS, QUEUE_MAX, NUM_FEATURES), dtype=jnp.float32)
    mem = mem / jnp.linalg.norm(mem, axis=-1, keepdims=True)
    input_features = jax.random.normal(k2, (BATCH, NUM_FEATURES), dtype=jnp.float32)
    labels = jax.random.randint(k3, (BATCH,), 0, NUM_LABELS, dtype=jnp.int32)
    current_flags = jnp.zeros((NUM_LABELS,), dtype=jnp.int32)
    return {"mem": mem, "input_features": input_features, "labels": labels, "current_flags": current_flags}


def reference(mem, input_features, labels, current_flags):
    # Faithful translation of Queues.update: sequential per-item scatter into the
    # per-cluster circular queues. For each (feature, label):
    #   pos = flags[label]; flags[label] = (pos+1) % queue_len
    #   slot = centroid_weight*slot + (1-centroid_weight)*feature; slot /= ||slot||
    #   slot = feature   (final overwrite, exactly as in the torch code)
    centroid_weight = CENTROID_WEIGHT

    def step(carry, xs):
        m, flags = carry
        feat, lbl = xs
        q_len = m.shape[1]
        pos = flags[lbl]
        flags = flags.at[lbl].set((pos + 1) % q_len)
        row = m[lbl, pos]
        blended = centroid_weight * row + (1.0 - centroid_weight) * feat
        blended = blended / jnp.linalg.norm(blended)
        m = m.at[lbl, pos].set(blended)
        m = m.at[lbl, pos].set(feat)
        return (m, flags), None

    (mem, flags), _ = jax.lax.scan(step, (mem, current_flags), (input_features, labels))
    return mem

if __name__ == "__main__":
    import jax
    _d = setup_inputs()
    print(jax.jit(kernel)(*tuple(_d.values())))

</pallas_src>

<mosaic_0001>
#map = affine_map<(d0, d1) -> (0, 0)>
#map1 = affine_map<(d0, d1) -> (0)>
module attributes {stable_mosaic.version = 14 : i64} {
  func.func @new_body(%arg0: i32, %arg1: i32, %arg2: memref<32768x2048xf32, #tpu.memory_space<hbm>>, %arg3: memref<256x2048xf32, #tpu.memory_space<hbm>>, %arg4: memref<256xi32, #tpu.memory_space<hbm>>, %arg5: memref<256xi32, #tpu.memory_space<hbm>>, %arg6: memref<32768x2048xf32, #tpu.memory_space<hbm>>, %arg7: memref<8xi32, #tpu.memory_space<vmem>>, %arg8: memref<8xi32, #tpu.memory_space<vmem>>, %arg9: memref<8x2048xf32, #tpu.memory_space<vmem>>, %arg10: memref<!tpu.dma_semaphore, #tpu.memory_space<semaphore_mem>>, %arg11: memref<!tpu.dma_semaphore, #tpu.memory_space<semaphore_mem>>, %arg12: memref<!tpu.dma_semaphore, #tpu.memory_space<semaphore_mem>>, %arg13: memref<!tpu.dma_semaphore, #tpu.memory_space<semaphore_mem>>) attributes {dimension_semantics = [#tpu.dimension_semantics<core_parallel>, #tpu.dimension_semantics<subcore_parallel>], iteration_bounds = array<i64: 2, 16>, scalar_prefetch = 0 : i64, scratch_operands = 7 : i64, tpu.core_type = #tpu.core_type<sc_vector_subcore>, window_params = [{transform_indices = #map}, {transform_indices = #map}, {transform_indices = #map1}, {transform_indices = #map1}, {transform_indices = #map}]} {
    %mul3A = arith.constant 2 : i32
    %mul3A_0 = arith.muli %arg1, %mul3A : i32
    %add3A = arith.addi %mul3A_0, %arg0 : i32
    %mul3A_1 = arith.constant 8 : i32
    %mul3A_2 = arith.muli %add3A, %mul3A_1 : i32
    %dma_start3A = tpu.memref_slice %arg4[%mul3A_2] : memref<256xi32, #tpu.memory_space<hbm>> -> memref<8xi32, #tpu.memory_space<hbm>>
    %dma_start3A_3 = tpu.memref_slice %arg4[%mul3A_2] : memref<256xi32, #tpu.memory_space<hbm>> -> memref<8xi32, #tpu.memory_space<hbm>>
    tpu.enqueue_dma source(%dma_start3A_3 : memref<8xi32, #tpu.memory_space<hbm>>) target(%arg7 : memref<8xi32, #tpu.memory_space<vmem>>) target_semaphore(%arg10 : memref<!tpu.dma_semaphore, #tpu.memory_space<semaphore_mem>>)
    %dma_start3A_4 = tpu.memref_slice %arg5[%mul3A_2] : memref<256xi32, #tpu.memory_space<hbm>> -> memref<8xi32, #tpu.memory_space<hbm>>
    %dma_start3A_5 = tpu.memref_slice %arg5[%mul3A_2] : memref<256xi32, #tpu.memory_space<hbm>> -> memref<8xi32, #tpu.memory_space<hbm>>
    tpu.enqueue_dma source(%dma_start3A_5 : memref<8xi32, #tpu.memory_space<hbm>>) target(%arg8 : memref<8xi32, #tpu.memory_space<vmem>>) target_semaphore(%arg11 : memref<!tpu.dma_semaphore, #tpu.memory_space<semaphore_mem>>)
    %dma_wait3A = tpu.memref_slice %arg4[%mul3A_2] : memref<256xi32, #tpu.memory_space<hbm>> -> memref<8xi32, #tpu.memory_space<hbm>>
    %dma_wait3A_6 = tpu.memref_slice %arg4[%mul3A_2] : memref<256xi32, #tpu.memory_space<hbm>> -> memref<8xi32, #tpu.memory_space<hbm>>
    tpu.wait_dma2 semaphore(%arg10 : memref<!tpu.dma_semaphore, #tpu.memory_space<semaphore_mem>>) src(%dma_wait3A_6 : memref<8xi32, #tpu.memory_space<hbm>>) dst(%arg7 : memref<8xi32, #tpu.memory_space<vmem>>)
    %dma_start3A_7 = arith.constant 0 : i32
    %dma_start3A_8 = arith.constant 0 : i32
    %dma_start3A_9 = tpu.memref_slice %arg3[%dma_start3A_7, %dma_start3A_8] : memref<256x2048xf32, #tpu.memory_space<hbm>> -> memref<256x2048xf32, #tpu.memory_space<hbm>>
    tpu.enqueue_indirect_dma source(%dma_start3A_9 : memref<256x2048xf32, #tpu.memory_space<hbm>>) target(%arg9 : memref<8x2048xf32, #tpu.memory_space<vmem>>) offsets(%arg7 : memref<8xi32, #tpu.memory_space<vmem>>) semaphore(%arg12 : memref<!tpu.dma_semaphore, #tpu.memory_space<semaphore_mem>>)
    %dma_wait3A_10 = tpu.memref_slice %arg5[%mul3A_2] : memref<256xi32, #tpu.memory_space<hbm>> -> memref<8xi32, #tpu.memory_space<hbm>>
    %dma_wait3A_11 = tpu.memref_slice %arg5[%mul3A_2] : memref<256xi32, #tpu.memory_space<hbm>> -> memref<8xi32, #tpu.memory_space<hbm>>
    tpu.wait_dma2 semaphore(%arg11 : memref<!tpu.dma_semaphore, #tpu.memory_space<semaphore_mem>>) src(%dma_wait3A_11 : memref<8xi32, #tpu.memory_space<hbm>>) dst(%arg8 : memref<8xi32, #tpu.memory_space<vmem>>)
    %dma_wait3A_12 = arith.constant 0 : i32
    %dma_wait3A_13 = arith.constant 0 : i32
    %dma_wait3A_14 = tpu.memref_slice %arg3[%dma_wait3A_12, %dma_wait3A_13] : memref<256x2048xf32, #tpu.memory_space<hbm>> -> memref<256x2048xf32, #tpu.memory_space<hbm>>
    tpu.wait_indirect_dma semaphore(%arg12 : memref<!tpu.dma_semaphore, #tpu.memory_space<semaphore_mem>>) src(%dma_wait3A_14 : memref<256x2048xf32, #tpu.memory_space<hbm>>) dst(%arg9 : memref<8x2048xf32, #tpu.memory_space<vmem>>)
    %dma_start3A_15 = arith.constant 0 : i32
    %dma_start3A_16 = arith.constant 0 : i32
    %dma_start3A_17 = tpu.memref_slice %arg2[%dma_start3A_15, %dma_start3A_16] : memref<32768x2048xf32, #tpu.memory_space<hbm>> -> memref<32768x2048xf32, #tpu.memory_space<hbm>>
    tpu.enqueue_indirect_dma source(%arg9 : memref<8x2048xf32, #tpu.memory_space<vmem>>) target(%dma_start3A_17 : memref<32768x2048xf32, #tpu.memory_space<hbm>>) offsets(%arg8 : memref<8xi32, #tpu.memory_space<vmem>>) semaphore(%arg13 : memref<!tpu.dma_semaphore, #tpu.memory_space<semaphore_mem>>)
    %dma_wait3A_18 = arith.constant 0 : i32
    %dma_wait3A_19 = arith.constant 0 : i32
    %dma_wait3A_20 = tpu.memref_slice %arg2[%dma_wait3A_18, %dma_wait3A_19] : memref<32768x2048xf32, #tpu.memory_space<hbm>> -> memref<32768x2048xf32, #tpu.memory_space<hbm>>
    tpu.wait_indirect_dma semaphore(%arg13 : memref<!tpu.dma_semaphore, #tpu.memory_space<semaphore_mem>>) src(%arg9 : memref<8x2048xf32, #tpu.memory_space<vmem>>) dst(%dma_wait3A_20 : memref<32768x2048xf32, #tpu.memory_space<hbm>>)
    return
  }
}

module attributes {stable_mosaic.version = 14 : i64} {
  func.func @_index_body(%arg0: memref<256x1xi32, #tpu.memory_space<vmem>>, %arg1: memref<1x256xi32, #tpu.memory_space<vmem>>, %arg2: memref<1x2048xi32, #tpu.memory_space<vmem>>, %arg3: memref<256x1xi32, #tpu.memory_space<vmem>>, %arg4: memref<256x1xi32, #tpu.memory_space<vmem>>) attributes {dimension_semantics = [], scalar_prefetch = 0 : i64, scratch_operands = 0 : i64, tpu.core_type = #tpu.core_type<tc>} {
    %get3A = arith.constant 0 : index
    %get3A_0 = arith.constant 0 : index
    %get3A_1 = vector.load %arg0[%get3A, %get3A_0] : memref<256x1xi32, #tpu.memory_space<vmem>>, vector<256x1xi32>
    %get3A_2 = arith.constant 0 : index
    %get3A_3 = arith.constant 0 : index
    %get3A_4 = vector.load %arg1[%get3A_2, %get3A_3] : memref<1x256xi32, #tpu.memory_space<vmem>>, vector<1x256xi32>
    %get3A_5 = arith.constant 0 : index
    %get3A_6 = arith.constant 0 : index
    %get3A_7 = vector.load %arg2[%get3A_5, %get3A_6] : memref<1x2048xi32, #tpu.memory_space<vmem>>, vector<1x2048xi32>
    %iota3A = tpu.iota {dimensions = array<i32: 0>} : vector<256x256xi32>
    %iota3A_8 = tpu.iota {dimensions = array<i32: 1>} : vector<256x256xi32>
    %eq3A = vector.broadcast %get3A_1 : vector<256x1xi32> to vector<256x256xi32>
    %eq3A_9 = vector.broadcast %get3A_4 : vector<1x256xi32> to vector<256x256xi32>
    %eq3A_10 = arith.cmpi eq, %eq3A, %eq3A_9 : vector<256x256xi32>
    %lt3A = arith.cmpi slt, %iota3A_8, %iota3A : vector<256x256xi32>
    %and3A = arith.andi %eq3A_10, %lt3A : vector<256x256xi1>
    %jit3A = arith.constant 1 : i32
    %jit3A_11 = arith.constant 0 : i32
    %broadcast_in_dim3A = vector.broadcast %jit3A : i32 to vector<256x256xi32>
    %broadcast_in_dim3A_12 = vector.broadcast %jit3A_11 : i32 to vector<256x256xi32>
    %select_n3A = arith.select %and3A, %broadcast_in_dim3A, %broadcast_in_dim3A_12 : vector<256x256xi1>, vector<256x256xi32>
    %reduce_sum3A = arith.constant dense<0> : vector<256xi32>
    %reduce_sum3A_13 = vector.multi_reduction <add>, %select_n3A, %reduce_sum3A [1] : vector<256x256xi32> to vector<256xi32>
    %broadcast_in_dim3A_14 = vector.shape_cast %reduce_sum3A_13 : vector<256xi32> to vector<256x1xi32>
    %lt3A_15 = arith.cmpi slt, %iota3A, %iota3A_8 : vector<256x256xi32>
    %and3A_16 = arith.andi %eq3A_10, %lt3A_15 : vector<256x256xi1>
    %jit3A_17 = arith.constant 1 : i32
    %jit3A_18 = arith.constant 0 : i32
    %broadcast_in_dim3A_19 = vector.broadcast %jit3A_17 : i32 to vector<256x256xi32>
    %broadcast_in_dim3A_20 = vector.broadcast %jit3A_18 : i32 to vector<256x256xi32>
    %select_n3A_21 = arith.select %and3A_16, %broadcast_in_dim3A_19, %broadcast_in_dim3A_20 : vector<256x256xi1>, vector<256x256xi32>
    %reduce_sum3A_22 = arith.constant dense<0> : vector<256xi32>
    %reduce_sum3A_23 = vector.multi_reduction <add>, %select_n3A_21, %reduce_sum3A_22 [0] : vector<256x256xi32> to vector<256xi32>
    %broadcast_in_dim3A_24 = vector.shape_cast %reduce_sum3A_23 : vector<256xi32> to vector<1x256xi32>
    %iota3A_25 = tpu.iota {dimensions = array<i32: 1>} : vector<256x2048xi32>
    %eq3A_26 = vector.broadcast %get3A_1 : vector<256x1xi32> to vector<256x2048xi32>
    %eq3A_27 = arith.cmpi eq, %iota3A_25, %eq3A_26 : vector<256x2048xi32>
    %jit3A_28 = arith.constant 0 : i32
    %broadcast_in_dim3A_29 = vector.shape_cast %get3A_7 : vector<1x2048xi32> to vector<1x2048xi32>
    %broadcast_in_dim3A_30 = vector.broadcast %broadcast_in_dim3A_29 : vector<1x2048xi32> to vector<256x2048xi32>
    %broadcast_in_dim3A_31 = vector.broadcast %jit3A_28 : i32 to vector<256x2048xi32>
    %select_n3A_32 = arith.select %eq3A_27, %broadcast_in_dim3A_30, %broadcast_in_dim3A_31 : vector<256x2048xi1>, vector<256x2048xi32>
    %reduce_sum3A_33 = arith.constant dense<0> : vector<256xi32>
    %reduce_sum3A_34 = vector.multi_reduction <add>, %select_n3A_32, %reduce_sum3A_33 [1] : vector<256x2048xi32> to vector<256xi32>
    %broadcast_in_dim3A_35 = vector.shape_cast %reduce_sum3A_34 : vector<256xi32> to vector<256x1xi32>
    %add3A = arith.addi %broadcast_in_dim3A_35, %broadcast_in_dim3A_14 : vector<256x1xi32>
    %jit3A_36 = arith.constant 16 : i32
    %eq3A_37 = arith.constant 0 : i32
    %eq3A_38 = arith.cmpi eq, %jit3A_36, %eq3A_37 : i32
    %jit3A_39 = arith.constant 1 : i32
    %select_n3A_40 = arith.select %eq3A_38, %jit3A_39, %jit3A_36 : i32
    %rem3A = vector.broadcast %select_n3A_40 : i32 to vector<256x1xi32>
    %rem3A_41 = arith.remsi %add3A, %rem3A : vector<256x1xi32>
    %ne3A = arith.constant 0 : i32
    %ne3A_42 = vector.broadcast %ne3A : i32 to vector<256x1xi32>
    %ne3A_43 = arith.cmpi ne, %rem3A_41, %ne3A_42 : vector<256x1xi32>
    %lt3A_44 = arith.constant 0 : i32
    %lt3A_45 = vector.broadcast %lt3A_44 : i32 to vector<256x1xi32>
    %lt3A_46 = arith.cmpi slt, %rem3A_41, %lt3A_45 : vector<256x1xi32>
    %lt3A_47 = arith.constant 0 : i32
    %lt3A_48 = arith.cmpi slt, %select_n3A_40, %lt3A_47 : i32
    %ne3A_49 = vector.broadcast %lt3A_48 : i1 to vector<256x1xi1>
    %ne3A_50 = vector.broadcast %ne3A_49 : vector<256x1xi1> to vector<256x1xi1>
    %ne3A_51 = arith.xori %lt3A_46, %ne3A_50 : vector<256x1xi1>
    %and3A_52 = arith.andi %ne3A_51, %ne3A_43 : vector<256x1xi1>
    %add3A_53 = vector.broadcast %select_n3A_40 : i32 to vector<256x1xi32>
    %add3A_54 = arith.addi %rem3A_41, %add3A_53 : vector<256x1xi32>
    %select_n3A_55 = arith.select %and3A_52, %add3A_54, %rem3A_41 : vector<256x1xi1>, vector<256x1xi32>
    %mul3A = arith.constant 16 : i32
    %mul3A_56 = vector.broadcast %mul3A : i32 to vector<256x1xi32>
    %mul3A_57 = arith.muli %get3A_1, %mul3A_56 : vector<256x1xi32>
    %add3A_58 = arith.addi %mul3A_57, %select_n3A_55 : vector<256x1xi32>
    %swap3A = arith.constant 0 : index
    %swap3A_59 = arith.constant 0 : index
    %swap3A_60 = vector.load %arg4[%swap3A, %swap3A_59] : memref<256x1xi32, #tpu.memory_space<vmem>>, vector<256x1xi32>
    tpu.vector_store %arg4[%swap3A, %swap3A_59], %add3A_58 {strides = array<i32>} : memref<256x1xi32, #tpu.memory_space<vmem>>, vector<256x1xi32>,
    %jit3A_61 = arith.constant 16 : i32
    %eq3A_62 = arith.constant 0 : i32
    %eq3A_63 = arith.cmpi eq, %jit3A_61, %eq3A_62 : i32
    %jit3A_64 = arith.constant 1 : i32
    %select_n3A_65 = arith.select %eq3A_63, %jit3A_64, %jit3A_61 : i32
    %rem3A_66 = vector.broadcast %select_n3A_65 : i32 to vector<256x1xi32>
    %rem3A_67 = arith.remsi %broadcast_in_dim3A_14, %rem3A_66 : vector<256x1xi32>
    %ne3A_68 = arith.constant 0 : i32
    %ne3A_69 = vector.broadcast %ne3A_68 : i32 to vector<256x1xi32>
    %ne3A_70 = arith.cmpi ne, %rem3A_67, %ne3A_69 : vector<256x1xi32>
    %lt3A_71 = arith.constant 0 : i32
    %lt3A_72 = vector.broadcast %lt3A_71 : i32 to vector<256x1xi32>
    %lt3A_73 = arith.cmpi slt, %rem3A_67, %lt3A_72 : vector<256x1xi32>
    %lt3A_74 = arith.constant 0 : i32
    %lt3A_75 = arith.cmpi slt, %select_n3A_65, %lt3A_74 : i32
    %ne3A_76 = vector.broadcast %lt3A_75 : i1 to vector<256x1xi1>
    %ne3A_77 = vector.broadcast %ne3A_76 : vector<256x1xi1> to vector<256x1xi1>
    %ne3A_78 = arith.xori %lt3A_73, %ne3A_77 : vector<256x1xi1>
    %and3A_79 = arith.andi %ne3A_78, %ne3A_70 : vector<256x1xi1>
    %add3A_80 = vector.broadcast %select_n3A_65 : i32 to vector<256x1xi32>
    %add3A_81 = arith.addi %rem3A_67, %add3A_80 : vector<256x1xi32>
    %select_n3A_82 = arith.select %and3A_79, %add3A_81, %rem3A_67 : vector<256x1xi1>, vector<256x1xi32>
    %jit3A_83 = arith.constant 16 : i32
    %eq3A_84 = arith.constant 0 : i32
    %eq3A_85 = arith.cmpi eq, %jit3A_83, %eq3A_84 : i32
    %jit3A_86 = arith.constant 1 : i32
    %select_n3A_87 = arith.select %eq3A_85, %jit3A_86, %jit3A_83 : i32
    %rem3A_88 = vector.broadcast %select_n3A_87 : i32 to vector<1x256xi32>
    %rem3A_89 = arith.remsi %broadcast_in_dim3A_24, %rem3A_88 : vector<1x256xi32>
    %ne3A_90 = arith.constant 0 : i32
    %ne3A_91 = vector.broadcast %ne3A_90 : i32 to vector<1x256xi32>
    %ne3A_92 = arith.cmpi ne, %rem3A_89, %ne3A_91 : vector<1x256xi32>
    %lt3A_93 = arith.constant 0 : i32
    %lt3A_94 = vector.broadcast %lt3A_93 : i32 to vector<1x256xi32>
    %lt3A_95 = arith.cmpi slt, %rem3A_89, %lt3A_94 : vector<1x256xi32>
    %lt3A_96 = arith.constant 0 : i32
    %lt3A_97 = arith.cmpi slt, %select_n3A_87, %lt3A_96 : i32
    %ne3A_98 = vector.broadcast %lt3A_97 : i1 to vector<1x256xi1>
    %ne3A_99 = vector.broadcast %ne3A_98 : vector<1x256xi1> to vector<1x256xi1>
    %ne3A_100 = arith.xori %lt3A_95, %ne3A_99 : vector<1x256xi1>
    %and3A_101 = arith.andi %ne3A_100, %ne3A_92 : vector<1x256xi1>
    %add3A_102 = vector.broadcast %select_n3A_87 : i32 to vector<1x256xi32>
    %add3A_103 = arith.addi %rem3A_89, %add3A_102 : vector<1x256xi32>
    %select_n3A_104 = arith.select %and3A_101, %add3A_103, %rem3A_89 : vector<1x256xi1>, vector<1x256xi32>
    %eq3A_105 = vector.broadcast %select_n3A_82 : vector<256x1xi32> to vector<256x256xi32>
    %eq3A_106 = vector.broadcast %select_n3A_104 : vector<1x256xi32> to vector<256x256xi32>
    %eq3A_107 = arith.cmpi eq, %eq3A_105, %eq3A_106 : vector<256x256xi32>
    %and3A_108 = arith.andi %eq3A_10, %eq3A_107 : vector<256x256xi1>
    %jit3A_109 = arith.constant -1 : i32
    %broadcast_in_dim3A_110 = vector.broadcast %jit3A_109 : i32 to vector<256x256xi32>
    %select_n3A_111 = arith.select %and3A_108, %iota3A_8, %broadcast_in_dim3A_110 : vector<256x256xi1>, vector<256x256xi32>
    %reduce_max3A = arith.constant dense<-2147483648> : vector<256xi32>
    %reduce_max3A_112 = vector.multi_reduction <maxsi>, %select_n3A_111, %reduce_max3A [1] : vector<256x256xi32> to vector<256xi32>
    %broadcast_in_dim3A_113 = vector.shape_cast %reduce_max3A_112 : vector<256xi32> to vector<256x1xi32>
    %swap3A_114 = arith.constant 0 : index
    %swap3A_115 = arith.constant 0 : index
    %swap3A_116 = vector.load %arg3[%swap3A_114, %swap3A_115] : memref<256x1xi32, #tpu.memory_space<vmem>>, vector<256x1xi32>
    tpu.vector_store %arg3[%swap3A_114, %swap3A_115], %broadcast_in_dim3A_113 {strides = array<i32>} : memref<256x1xi32, #tpu.memory_space<vmem>>, vector<256x1xi32>,
    return
  }
}

</mosaic_0001>

<sc_bundles>
// kernel: kernel.4.cloned.1.call-start
scs
__scs_entry_jumppad:
0x0: {  	(pc) =	sbr.rel $0x88, $3  }
0x1: {  	(tag) =	ssettag $0x0;
	lr =	simm.s32 $0x1  }
0x2: {  	[smem:$0x3F9D] =	sst lr;
	_ =	strace $0xD0000000  }
0x3: {  	_ = 	snop  }
0x4: {  	_ = 	snop  }
0x5: {  	_ = 	snop  }
0x6: {  	_ = 	snop  }
0x7: {  	_ = 	snop  }
__scs_overlays_trampoline_lowered:
0x8: {  	[smem:$0x3FAC] =	sst s0  }
0x9: {  	[smem:$0x3FAD] =	sst s1  }
0xa: {  	[smem:$0x3FAE] =	sst s2  }
0xb: {  	[smem:$0x3FAF] =	sst s3  }
0xc: {  	[smem:$0x3FB0] =	sst s4  }
0xd: {  	[smem:$0x3FB1] =	sst s5  }
0xe: {  	[smem:$0x3FB2] =	sst s6  }
0xf: {  	[smem:$0x3FB3] =	sst s7  }
0x10: {  	[smem:$0x3FB4] =	sst s8  }
0x11: {  	[smem:$0x3FB5] =	sst s9;
	s0 =	simm.s32 @!p0 $0x0  }
0x12: {  	s1 =	sld [smem:$0x3F9B];
	s0 =	simm.s32 @p0 $0x1  }
0x13: {  	[smem:$0x3FB6] =	sst s0;
	s0 =	simm.s32 @!p1 $0x0  }
0x14: {  	s2 =	sld [smem:$0x3F9A];
	s0 =	simm.s32 @p1 $0x1  }
0x15: {  	[smem:$0x3FB7] =	sst s0;
	s0 =	simm.s32 @!p2 $0x0  }
0x16: {  	s3 =	sld [smem:$0x3FDB];
	s0 =	simm.s32 @p2 $0x1  }
0x17: {  	s4 =	simm.s32 $0x1BF5;
	[smem:$0x3FB9] =	sst s0  }
0x18: {  	s0 =	sld [smem:$0x3F9C];
	_ =	swait.ge [sflag:s4], $0x0  }
0x19: {  	s7 =	sld [smem:$0x3F9D]  }
0x1a: {  	s8 =	sadd.s32 $0xFFFFE003, lr  }
0x1b: {  	s9 =	sadd.s32 $0xFFFFFEF7, lr;
	s5 =	simm.s32 $0xFFFFFFFF;
	p2 =	slt.u32 s8, $0xFFFFF086  }
0x1c: {  	p1 =	slt.u32 s9, $0xF7A;
	s5 =	simm.s32 @!p2 $0x0  }
0x1d: {  	s5 =	simm.s32 @p1 $0x1;
	p0 =	seq.s32 s7, s2  }
0x1e: {  	s7 =	smul.u32 @!p0 $0xF7A, s2;
	p2 =	seq.s32 @!p0 s5, $0x0  }
0x1f: {  	s9 =	smul.u32 $0xF7A, s1;
	s8 =	simm.s32 @!p0 $0x1BF5;
	p2 =	por !p2, p0  }
0x20: {  	[sflag:s8] =	ssyncset.s32 @!p0 $0xFFFFF086;
	s6 =	sadd.s32 @!p0 s3, s7;
	s7 =	simm.s32 @!p0 $0x108  }
0x21: {  	s3 =	sadd.s32 s3, s9;
	s6 =	sadd.s32 @!p0 $0x88, s6;
	s7 =	simm.s32 @p2 $0x1082  }
0x22: {  	[simem:s7], [sflag:s8] =	dma.local @!p0 [hbm:s6], $0xF7A  }
0x23: {  	s9 =	sor.u32 $0xD0000000, s2;
	s6 =	simm.s32 $0x108;
	_ =	swait.ge @!p0 [sflag:s8], $0x0  }
0x24: {  	s3 =	sadd.s32 $0x88, s3;
	s6 =	simm.s32 @!p1 $0x1082;
	[sflag:s4] =	ssyncset.s32 $0xFFFFF086  }
0x25: {  	[simem:s6], [sflag:s4] =	dma.local [hbm:s3], $0xF7A  }
0x26: {  	[smem:$0x3F9D] =	sst s1;
	(tag) =	ssettag s2;
	_ =	strace s9  }
0x27: {  	s1 =	sld [smem:$0x3FAD]  }
0x28: {  	s2 =	sld [smem:$0x3FAE]  }
0x29: {  	s4 =	sld [smem:$0x3FB0]  }
0x2a: {  	p0 =	seq.s32 s5, $0x0;
	s5 =	sld [smem:$0x3FB1]  }
0x2b: {  	s6 =	sld [smem:$0x3FB2]  }
0x2c: {  	s7 =	sld [smem:$0x3FB3]  }
0x2d: {  	s3 =	simm.s32 $0x108;
	s8 =	sld [smem:$0x3FB4]  }
0x2e: {  	s3 =	simm.s32 @!p0 $0x1082;
	s9 =	sld [smem:$0x3FB5]  }
0x2f: {  	lr =	sadd.s32 s0, s3;
	s0 =	sld [smem:$0x3FAC]  }
0x30: {  	s3 =	sld [smem:$0x3FAF]  }
0x31: {  	[smem:$0x3FB8] =	sst s10  }
0x32: {  	s10 =	sld [smem:$0x3FB6];
	_ =	sdelay $0x3  }
0x33: {  	p0 =	seq.s32 s10, $0x1;
	s10 =	sld [smem:$0x3FB8];
	_ =	sdelay $0x3  }
0x34: {  	[smem:$0x3FB8] =	sst s10  }
0x35: {  	s10 =	sld [smem:$0x3FB7];
	_ =	sdelay $0x3  }
0x36: {  	p1 =	seq.s32 s10, $0x1;
	s10 =	sld [smem:$0x3FB8];
	_ =	sdelay $0x3  }
0x37: {  	[smem:$0x3FB8] =	sst s10  }
0x38: {  	s10 =	sld [smem:$0x3FB9]  }
0x39: {  	_ = 	snop;
	(pc) =	sbr.ind lr, $3  }
0x3a: {  	_ = 	snop  }
0x3b: {  	_ = 	snop  }
0x3c: {  	p2 =	seq.s32 s10, $0x1;
	s10 =	sld [smem:$0x3FB8]  }
0x3d: {  	_ =	shalt  }
0x3e: {  	_ =	shalt  }
0x3f: {  	_ =	shalt  }
0x40: {  	_ =	shalt  }
0x41: {  	_ =	shalt  }
0x42: {  	_ =	shalt  }
0x43: {  	_ =	shalt  }
0x44: {  	_ =	shalt  }
0x45: {  	_ =	shalt  }
0x46: {  	_ =	shalt  }
0x47: {  	_ =	shalt  }
0x48: {  	_ =	shalt  }
0x49: {  	_ =	shalt  }
0x4a: {  	_ =	shalt  }
0x4b: {  	_ =	shalt  }
0x4c: {  	_ =	shalt  }
0x4d: {  	_ =	shalt  }
0x4e: {  	_ =	shalt  }
0x4f: {  	_ =	shalt  }
0x50: {  	_ =	shalt  }
0x51: {  	_ =	shalt  }
0x52: {  	_ =	shalt  }
0x53: {  	_ =	shalt  }
0x54: {  	_ =	shalt  }
0x55: {  	_ =	shalt  }
0x56: {  	_ =	shalt  }
0x57: {  	_ =	shalt  }
0x58: {  	_ =	shalt  }
0x59: {  	_ =	shalt  }
0x5a: {  	_ =	shalt  }
0x5b: {  	_ =	shalt  }
0x5c: {  	_ =	shalt  }
0x5d: {  	_ =	shalt  }
0x5e: {  	_ =	shalt  }
0x5f: {  	_ =	shalt  }
0x60: {  	_ =	shalt  }
0x61: {  	_ =	shalt  }
0x62: {  	_ =	shalt  }
0x63: {  	_ =	shalt  }
0x64: {  	_ =	shalt  }
0x65: {  	_ =	shalt  }
0x66: {  	_ =	shalt  }
0x67: {  	_ =	shalt  }
0x68: {  	_ =	shalt  }
0x69: {  	_ =	shalt  }
0x6a: {  	_ =	shalt  }
0x6b: {  	_ =	shalt  }
0x6c: {  	_ =	shalt  }
0x6d: {  	_ =	shalt  }
0x6e: {  	_ =	shalt  }
0x6f: {  	_ =	shalt  }
0x70: {  	_ =	shalt  }
0x71: {  	_ =	shalt  }
0x72: {  	_ =	shalt  }
0x73: {  	_ =	shalt  }
0x74: {  	_ =	shalt  }
0x75: {  	_ =	shalt  }
0x76: {  	_ =	shalt  }
0x77: {  	_ =	shalt  }
0x78: {  	_ =	shalt  }
0x79: {  	_ =	shalt  }
0x7a: {  	_ =	shalt  }
0x7b: {  	_ =	shalt  }
0x7c: {  	_ =	shalt  }
0x7d: {  	_ =	shalt  }
0x7e: {  	_ =	shalt  }
0x7f: {  	_ =	shalt  }
0x80: {  	_ =	shalt  }
0x81: {  	_ =	shalt  }
0x82: {  	_ =	shalt  }
0x83: {  	_ =	shalt  }
0x84: {  	_ =	shalt  }
0x85: {  	_ =	shalt  }
0x86: {  	_ =	shalt  }
0x87: {  	_ =	shalt  }
.Lfunc_end0:
.L_simem_size_0:
called_computation_lowered:
.L_overlay_start_0:
0x88: {  	s2 =	sld [smem:$0x3FD9]  }
0x89: {  	s3 =	sld [smem:$0x3FFE];
	_ =	sdelay $0x1  }
0x8a: {  	s1 =	srdreg.scid  }
0x8b: {  	s0 =	sand.u32 $0x1, s1  }
0x8c: {  	s17 =	sshll.u32 s0, $0xA;
	s2 =	sadd.s32 s3, s2  }
0x8d: {  	s2 =	sadd.s32 s2, s17  }
0x8e: {  	[smem:$0x3FC4] =	sst s2  }
0x8f: {  	_ = 	snop  }
0x90: {  	s2 =	sld [smem:$0x3FC8]  }
0x91: {  	s18 =	sld [smem:$0x3FD0];
	(tm) =	ssettm $0x1  }
0x92: {  	s4 =	sld [smem:$0x3FFB];
	_ =	sdelay $0x3  }
0x93: {  	_ =	strace s4  }
0x94: {  	s4 =	sld [smem:$0x3FFC];
	_ =	sdelay $0x3  }
0x95: {  	_ =	strace s4  }
0x96: {  	s4 =	sld [smem:$0x3FFD];
	_ =	sdelay $0x3  }
0x97: {  	_ =	strace s4  }
0x98: {  	_ =	strace $0x8FFFFFFF  }
0x99: {  	s19 =	sld [smem:$0x3FDB];
	_ =	sdelay $0x1  }
0x9a: {  	s5 =	simm.s32 $_scs_section_size  }
0x9b: {  	s6 =	simm.s32 $_size__tile_overlayer_lowered;
	s7 =	simm.s32 $_tile_overlayer_lowered  }
0x9c: {  	s22 =	simm.s32 $0x1BFF;
	s21 =	sshll.u32 s7, $0x1;
	s4 =	sadd.s32 s5, s19  }
0x9d: {  	s8 =	simm.s32 $0x0;
	s20 =	sshll.u32 s6, $0x1;
	s6 =	sadd.s32 s21, s4  }
0x9e: {  	[timem:s8], [sflag:s22] =	dma.local [hbm:s6], s20  }
0x9f: {  	_ =	swait.ge [sflag:s22], s20  }
0xa0: {  	s5 =	ssub.s32 $0x0, s20;
	[sflag:s22] =	ssyncset.done $0x0  }
0xa1: {  	[sflag:s22] =	ssyncadd.s32 s5;
	_ =	sdelay $0x1  }
0xa2: {  	s23 =	simm.s32 $0x1B8B  }
0xa3: {  	_ =	swait.ge [sflag:s23], $0x1  }
0xa4: {  	[sflag:s23] =	ssyncset.done $0x0  }
0xa5: {  	s25 =	simm.s32 $0x1B8E;
	s24 =	sld [smem:$0x3FFE];
	[sflag:s23] =	ssyncadd.s32 $0xFFFFFFFF  }
0xa6: {  	s26 =	simm.s32 $execute0_lowered;
	[smem:$0x3FD2] =	sst s25  }
0xa7: {  	s6 =	sshll.u32 s26, $0x1;
	_ =	strace $0x80000046;
	[dreg:$0x1] =	wrdreg $0xFFFFFFFF  }
0xa8: {  	s28 =	simm.s32 $_size_execute0_lowered;
	s4 =	sadd.s32 s4, s6;
	[dreg:$0x0] =	wrdreg $0x0  }
0xa9: {  	s6 =	sshll.u32 s28, $0x1;
	[dreg:$0x2] =	wrdreg s4  }
0xaa: {  	[dreg:$0x3] =	wrdreg s6  }
0xab: {  	[dreg:$0x4] =	wrdreg $0xC0  }
0xac: {  	_ =	task [dreg:s8], $0x5FFFF  }
0xad: {  	[dreg:$0x1] =	wrdreg $0xFFFFFFFF  }
0xae: {  	[dreg:$0x0] =	wrdreg $0x60  }
0xaf: {  	[dreg:$0x2] =	wrdreg s18  }
0xb0: {  	[dreg:$0x3] =	wrdreg s2  }
0xb1: {  	[dreg:$0x4] =	wrdreg s24  }
0xb2: {  	[dreg:$0x5] =	wrdreg $0x9  }
0xb3: {  	_ =	task.clear_ibuf [dreg:s8], $0x6FFFF;
	_ =	strace $0x90000046  }
0xb4: {  	s29 =	simm.s32 $0x9;
	_ =	strace $0x80000048  }
0xb5: {  	_ =	swait.ge [sflag:s29], $0x1  }
0xb6: {  	[sflag:s29] =	ssyncadd.s32 $0xFFFFFFFF  }
0xb7: {  	_ =	strace $0x90000048  }
0xb8: {  	_ =	sfence  }
0xb9: {  	s30 =	sld [smem:$0x0];
	_ =	sdelay $0x2  }
0xba: {  	s31 =	sshll.u32 s1, $0xD;
	s1 =	sshrl.u32 s1, $0x2  }
0xbb: {  	s3 =	sand.u32 $0x4000, s31;
	s1 =	sadd.s32 s1, s30  }
0xbc: {  	s0 =	sor.u32 s3, s0;
	s1 =	sshll.u32 s1, $0x11  }
0xbd: {  	s0 =	sor.u32 s1, s0  }
0xbe: {  	s0 =	sadd.s32 $0x8F2B, s0  }
0xbf: {  	[sflag:s0] =	ssyncadd.remote.s32 $0x1  }
0xc0: {  	_ =	sfence.sel $0xFFFF  }
0xc1: {  	[dreg:$0x0] =	wrdreg $0xFFFFFFFF;
	(pc) =	sbr.abs _section_cstart, $3  }
0xc2: {  	[dreg:$0x1] =	wrdreg $0xFFFFFFFF  }
0xc3: {  	_ =	task.clear_ibuf [dreg:s8], $0x2FFFF;
	_ =	strace $0x9FFFFFFF  }
0xc4: {  	(tm) =	ssettm $0x7FFFFFFF  }
0xc5: {  	_ =	shalt  }
tec
execute0_lowered:
.L_overlay_start_1:
0x0: {  	(tag) =	ssettag $0x1  }
0x1: {  	s1 =	rddreg [dreg:$0x0]  }
0x2: {  	s3 =	rddreg [dreg:$0x1];
	s2 =	srdreg.scid  }
0x3: {  	s0 =	stileid.u32;
	s5 =	rddreg [dreg:$0x2];
	s4 =	simm.s32 $0x0  }
0x4: {  	s19 =	simm.s32 $0x80;
	s20 =	simm.s32 $0x1;
	s21 =	simm.s32 $0x100  }
0x5: {  	s22 =	simm.s32 $0x900;
	s23 =	simm.s32 $0x1100;
	s24 =	simm.s32 $0x1900  }
0x6: {  	s28 =	simm.s32 $0x3100;
	s29 =	simm.s32 $0x3900;
	s30 =	simm.s32 $0x2  }
0x7: {  	s31 =	simm.s32 $0x3;
	s2 =	sand.u32 $0x1, s2;
	s6 =	sshll.u32 s0, $0x1  }
0x8: {  	[smem:$0x7FF] =	sst s4;
	s25 =	sadd.s32 $0x100, s3;
	s26 =	sadd.s32 $0x200, s3  }
0x9: {  	s8 =	sadd.s32 $0x500, s3;
	s9 =	sadd.s32 $0x600, s3;
	s10 =	sadd.s32 $0x700, s3  }
0xa: {  	s11 =	sadd.s32 $0x100, s1;
	s12 =	sadd.s32 $0x200, s1;
	s13 =	sadd.s32 $0x300, s1  }
0xb: {  	s14 =	sadd.s32 $0x400, s1;
	s15 =	sadd.s32 $0x500, s1;
	s16 =	sadd.s32 $0x600, s1  }
0xc: {  	s17 =	sadd.s32 $0x700, s1;
	_ =	strace $0x80000047;
	[dreg:$0x5] =	wrdreg s25  }
0xd: {  	s6 =	sor.u32 s2, s6;
	s2 =	ssub.s32 $0x2, s2;
	[dreg:$0x6] =	wrdreg s26  }
0xe: {  	s25 =	simm.s32 $0x2100;
	s5 =	sadd.s32 s5, s6;
	s7 =	sshrl.u32 s2, $0x1  }
0xf: {  	v0 =	vlaneseq.u32;
	s26 =	simm.s32 $0x2900;
	s6 =	sadd.s32 $0x200, s5;
	s2 =	ssub.s32 s2, s7  }
0x10: {  	v1 =	vshrl.u32 v0, $0x3;
	s7 =	sadd.s32 $0x400, s3;
	[dreg:$0x4] =	wrdreg s6;
	s6 =	sadd.s32 $0x300, s3  }
0x11: {  	vm0 =	vmmov $0xffff;
	v0 =	vand.u32 $0x7, v0;
	v1 =	vmul.u32 $0x8, v1;
	s3 =	smov.u32 s1;
	s18 =	smax.u32 s2, $0x1;
	s2 =	simm.s32 $0x4  }
.LBB2_1:
0x12: {  	[tilespmem:s4], [sflag:$0x1] =	stream.linear.gather [hbm4b:s5+s4], $0x8, $0x38;
	[tilespmem:$0x4100] =	vst v63  }
0x13: {  	s0 =	rddreg [dreg:$0x4]  }
0x14: {  	[tilespmem:s19], [sflag:$0x2] =	stream.linear.gather [hbm4b:s0+s4], $0x8, $0x38;
	[tilespmem:$0x4100] =	vst v63  }
0x15: {  	_ =	swait.ge [sflag:s20], $0x8  }
0x16: {  	[sflag:s20] =	ssyncset.done $0x0  }
0x17: {  	[sflag:s20] =	ssyncadd.s32 $0xFFFFFFF8  }
0x18: {  	v2 =	vld.msk [tilespmem:$0x0], $0xff;
	_ =	sdelay $0x4  }
0x19: {  	v3 =	vshll.u32 v2, $0x4  }
0x1a: {  	v2 =	vand.u32 $0x7, v2;
	v3 =	vand.u32 $0xFFFFFF80, v3  }
0x1b: {  	v2 =	vor.u32 v2, v3  }
0x1c: {  	v2 =	vperm.xlane v2, v0;
	_ =	sdelay $0x1  }
0x1d: {  	v2 =	vadd.s32 v1, v2;
	_ =	sdelay $0x3  }
0x1e: {  	s1 =	rddreg [dreg:$0x1]  }
0x1f: {  	[tilespmem:s21], [sflag:$0x3] =	stream.indirect_vreg.gather [hbm4b:s1+s4], $0x80, v2, vm0, $0xb8;
	[tilespmem:$0x4100] =	vst v63  }
0x20: {  	s0 =	rddreg [dreg:$0x5]  }
0x21: {  	[tilespmem:s22], [sflag:$0x3] =	stream.indirect_vreg.gather [hbm4b:s0+s4], $0x80, v2, vm0, $0xb8;
	[tilespmem:$0x4100] =	vst v63  }
0x22: {  	s1 =	rddreg [dreg:$0x6]  }
0x23: {  	[tilespmem:s23], [sflag:$0x3] =	stream.indirect_vreg.gather [hbm4b:s1+s4], $0x80, v2, vm0, $0xb8;
	[tilespmem:$0x4100] =	vst v63  }
0x24: {  	_ = 	snop  }
0x25: {  	[tilespmem:s24], [sflag:$0x3] =	stream.indirect_vreg.gather [hbm4b:s6+s4], $0x80, v2, vm0, $0xb8;
	[tilespmem:$0x4100] =	vst v63  }
0x26: {  	_ = 	snop  }
0x27: {  	[tilespmem:s25], [sflag:$0x3] =	stream.indirect_vreg.gather [hbm4b:s7+s4], $0x80, v2, vm0, $0xb8;
	[tilespmem:$0x4100] =	vst v63  }
0x28: {  	_ = 	snop  }
0x29: {  	[tilespmem:s26], [sflag:$0x3] =	stream.indirect_vreg.gather [hbm4b:s8+s4], $0x80, v2, vm0, $0xb8;
	[tilespmem:$0x4100] =	vst v63  }
0x2a: {  	_ = 	snop  }
0x2b: {  	[tilespmem:s28], [sflag:$0x3] =	stream.indirect_vreg.gather [hbm4b:s9+s4], $0x80, v2, vm0, $0xb8;
	[tilespmem:$0x4100] =	vst v63  }
0x2c: {  	_ = 	snop  }
0x2d: {  	[tilespmem:s29], [sflag:$0x3] =	stream.indirect_vreg.gather [hbm4b:s10+s4], $0x80, v2, vm0, $0xb8;
	[tilespmem:$0x4100] =	vst v63  }
0x2e: {  	_ =	swait.ge [sflag:s30], $0x8  }
0x2f: {  	[sflag:s30] =	ssyncset.done $0x0  }
0x30: {  	[sflag:s30] =	ssyncadd.s32 $0xFFFFFFF8  }
0x31: {  	_ =	swait.ge [sflag:s31], $0x4000  }
0x32: {  	[sflag:s31] =	ssyncset.done $0x0  }
0x33: {  	[sflag:s31] =	ssyncadd.s32 $0xFFFFC000  }
0x34: {  	v2 =	vld.msk [tilespmem:$0x80], $0xff;
	_ =	sdelay $0x4  }
0x35: {  	v3 =	vshll.u32 v2, $0x4  }
0x36: {  	v2 =	vand.u32 $0x7, v2;
	v3 =	vand.u32 $0xFFFFFF80, v3  }
0x37: {  	v2 =	vor.u32 v2, v3  }
0x38: {  	v2 =	vperm.xlane v2, v0;
	_ =	sdelay $0x1  }
0x39: {  	v2 =	vadd.s32 v1, v2;
	_ =	sdelay $0x4  }
0x3a: {  	[hbm4b:s3+s4] =	stream.indirect_vreg.scatter [tilespmem:s21], [sflag:$0x4], $0x80, v2, vm0, $0xb8;
	[tilespmem:$0x4100] =	vst v63  }
0x3b: {  	_ = 	snop  }
0x3c: {  	[hbm4b:s11+s4] =	stream.indirect_vreg.scatter [tilespmem:s22], [sflag:$0x4], $0x80, v2, vm0, $0xb8;
	[tilespmem:$0x4100] =	vst v63  }
0x3d: {  	_ = 	snop  }
0x3e: {  	[hbm4b:s12+s4] =	stream.indirect_vreg.scatter [tilespmem:s23], [sflag:$0x4], $0x80, v2, vm0, $0xb8;
	[tilespmem:$0x4100] =	vst v63  }
0x3f: {  	_ = 	snop  }
0x40: {  	[hbm4b:s13+s4] =	stream.indirect_vreg.scatter [tilespmem:s24], [sflag:$0x4], $0x80, v2, vm0, $0xb8;
	[tilespmem:$0x4100] =	vst v63  }
0x41: {  	_ = 	snop  }
0x42: {  	[hbm4b:s14+s4] =	stream.indirect_vreg.scatter [tilespmem:s25], [sflag:$0x4], $0x80, v2, vm0, $0xb8;
	[tilespmem:$0x4100] =	vst v63  }
0x43: {  	_ = 	snop  }
0x44: {  	[hbm4b:s15+s4] =	stream.indirect_vreg.scatter [tilespmem:s26], [sflag:$0x4], $0x80, v2, vm0, $0xb8;
	[tilespmem:$0x4100] =	vst v63  }
0x45: {  	p0 =	sne.s32 s18, $0x1  }
0x46: {  	[hbm4b:s16+s4] =	stream.indirect_vreg.scatter [tilespmem:s28], [sflag:$0x4], $0x80, v2, vm0, $0xb8;
	[tilespmem:$0x4100] =	vst v63  }
.Ltmp0:
0x47: {  	_ = 	snop;
	(pc) =	sbr.rel @p0 .LBB2_1-.Ltmp0, $4  }
0x48: {  	[hbm4b:s17+s4] =	stream.indirect_vreg.scatter [tilespmem:s29], [sflag:$0x4], $0x80, v2, vm0, $0xb8;
	[tilespmem:$0x4100] =	vst v63  }
0x49: {  	_ =	swait.ge [sflag:s2], $0x4000  }
0x4a: {  	[sflag:s2] =	ssyncset.done $0x0  }
0x4b: {  	s18 =	sadd.s32 $0xFFFFFFFF, s18;
	[sflag:s2] =	ssyncadd.s32 $0xFFFFC000  }
0x4c: {  	_ =	sfence.sel $0x180000  }
0x4d: {  	[bflag:$0x0] =	sbarrier.arrive $0xFFFF  }
0x4e: {  	_ =	strace $0x90000047  }
0x4f: {  	s0 =	stileid.u32;
	[bflag:$0x2] =	sbarrier.arrive $0xFFFF  }
0x50: {  	p0 =	sne.s32 s0, $0x0;
	s0 =	rddreg [dreg:$0x3]  }
0x51: {  	s0 =	sadd.s32 @!p0 $0x100000, s0  }
0x52: {  	[sflag:s0] =	ssyncadd.tile.s32 @!p0 $0x1;
	_ =	shalt  }
.Lfunc_end2:
_tile_overlayer_lowered:
.L_overlay_start_2:
0x53: {  	(tag) =	ssettag $0x2  }
0x54: {  	s0 =	rddreg [dreg:$0x0];
	s2 =	stileid.u32  }
0x55: {  	s1 =	rddreg [dreg:$0x1];
	p0 =	sne.s32 s2, $0x0  }
0x56: {  	s3 =	rddreg [dreg:$0x2];
	[bflag:$0x3] =	sbarrier.arrive $0xFFFF;
	s2 =	simm.s32 @!p0 $0x1C05  }
0x57: {  	[timem:s3], [sflag:s2] =	dma.local @!p0 [hbm:s0], s1  }
0x58: {  	s0 =	simm.s32 @!p0 $0x5  }
0x59: {  	_ =	swait.ge @!p0 [sflag:s0], s1  }
0x5a: {  	s1 =	ssub.s32 @!p0 $0x0, s1;
	[sflag:s0] =	ssyncset.done @!p0 $0x0  }
0x5b: {  	[sflag:s0] =	ssyncadd.s32 @!p0 s1  }
0x5c: {  	[bflag:$0x3] =	sbarrier.arrive $0xFFFF  }
0x5d: {  	_ =	shalt  }

</sc_bundles>
